<compile_context>
chip_gen: v7x
topology: tpu7x:2x2x1
jax: 0.10.2.dev20260603
libtpu: 0.0.44.dev20260713+nightly
codegen_flags: <defaults>
</compile_context>

<pallas_src>
import functools

import jax
import jax.numpy as jnp
from jax import lax
from jax.experimental import pallas as pl
from jax.experimental.pallas import tpu as pltpu
from jax.experimental.pallas import tpu_sc as plsc

_VOCAB = 100000
_EMBED = 64
_CTX = 20
_HIDDEN = 128
_NB = 20
_BLK = _VOCAB // _NB


def _sc_gather_sum(idx, embed_t):
    mesh = plsc.VectorSubcoreMesh(core_axis_name="c", subcore_axis_name="s")

    @functools.partial(
        pl.kernel,
        out_type=jax.ShapeDtypeStruct((16, _EMBED), jnp.float32),
        mesh=mesh,
        scratch_types=[
            pltpu.VMEM((_CTX + 16,), jnp.int32),
            pltpu.VMEM((2, _EMBED, 128), jnp.float32),
            pltpu.VMEM((1, _EMBED), jnp.float32),
            pltpu.SemaphoreType.DMA,
        ],
        compiler_params=pltpu.CompilerParams(needs_layout_passes=False),
    )
    def k(idx_hbm, embed_hbm, out_hbm, idx_v, cols_v, acc_v, sem):
        core = lax.axis_index("c")
        sub = lax.axis_index("s")

        def idx_at(r):
            rr = jnp.full((16,), r, jnp.int32)
            return plsc.load_gather(idx_v, [rr])[0]

        def fetch(slot, r):
            v = idx_at(r)
            off = pl.multiple_of((v >> 7) * 128, 128)
            h = pltpu.async_copy(
                embed_hbm.at[:, pl.ds(off, 128)], cols_v.at[slot], sem)
            return h, v & 127

        def select(slot, lane):
            parts = []
            for d in range(_EMBED // 16):
                dims = jax.lax.iota(jnp.int32, 16) + d * 16
                rr = jnp.full((16,), slot, jnp.int32)
                ll = jnp.full((16,), lane, jnp.int32)
                parts.append(plsc.load_gather(cols_v, [rr, dims, ll]))
            return parts

        @pl.when(core == 0)
        def _():
            pltpu.sync_copy(idx_hbm, idx_v.at[pl.ds(0, _CTX)])
            n2 = _CTX - 16

            h0, l0 = fetch(0, sub)

            @pl.when(sub < n2)
            def _():
                h1, l1 = fetch(1, sub + 16)
                h1.wait()
            h0.wait()
            acc = select(0, l0)

            @pl.when(sub < n2)
            def _():
                v1 = idx_at(sub + 16)
                extra = select(1, v1 & 127)
                for d in range(_EMBED // 16):
                    acc_v[0, pl.ds(d * 16, 16)] = acc[d] + extra[d]

            @pl.when(sub >= n2)
            def _():
                for d in range(_EMBED // 16):
                    acc_v[0, pl.ds(d * 16, 16)] = acc[d]

            pltpu.sync_copy(acc_v, out_hbm.at[pl.ds(sub, 1), :])

    return k(idx, embed_t)


def _tc_body(s_ref, w1_ref, b1_ref, w2_ref, b2_ref, out_ref):
    i = pl.program_id(0)
    s = jnp.sum(s_ref[...], axis=0, keepdims=True)
    h = lax.dot_general(s, w1_ref[...], (((1,), (1,)), ((), ())),
                        preferred_element_type=jnp.float32)
    h = jnp.maximum(h + b1_ref[...], 0.0)
    logits = lax.dot_general(h, w2_ref[0], (((1,), (1,)), ((), ())),
                             preferred_element_type=jnp.float32)
    out_ref[pl.ds(i, 1), :] = logits + b2_ref[0]

    @pl.when(i == _NB - 1)
    def _():
        x = out_ref[...]
        m = jnp.max(x)
        lse = m + jnp.log(jnp.sum(jnp.exp(x - m)))
        out_ref[...] = x - lse


def _tc_dense(s, fc1_w, fc1_b, fc2_w, fc2_b):
    out = pl.pallas_call(
        _tc_body,
        grid=(_NB,),
        in_specs=[
            pl.BlockSpec((16, _EMBED), lambda i: (0, 0)),
            pl.BlockSpec((_HIDDEN, _EMBED), lambda i: (0, 0)),
            pl.BlockSpec((1, _HIDDEN), lambda i: (0, 0)),
            pl.BlockSpec((1, _BLK, _HIDDEN), lambda i: (i, 0, 0)),
            pl.BlockSpec((1, 1, _BLK), lambda i: (i, 0, 0)),
        ],
        out_specs=pl.BlockSpec((_NB, _BLK), lambda i: (0, 0)),
        out_shape=jax.ShapeDtypeStruct((_NB, _BLK), jnp.float32),
    )(
        s,
        fc1_w,
        fc1_b.reshape(1, _HIDDEN),
        fc2_w.reshape(_NB, _BLK, _HIDDEN),
        fc2_b.reshape(_NB, 1, _BLK),
    )
    return out.reshape(_VOCAB)


def kernel(inputs, embed, fc1_w, fc1_b, fc2_w, fc2_b):
    s = _sc_gather_sum(inputs.astype(jnp.int32), embed.T)
    return _tc_dense(s, fc1_w, fc1_b, fc2_w, fc2_b)

# --- scband reference (transcript-rebuilt; emitter-appended) ---
"""Pipeline reference for scband-cbow-27084063769205 (READ-ONLY COPY).

The authoritative reference and input builder live on the scoring server;
editing this copy changes nothing except your own understanding.
"""

import jax, jax.numpy as jnp
import numpy as np

VOCAB = 100000
EMBED_DIM = 64
CONTEXT = 20  # 2 * context_size
HIDDEN = 128

def setup_inputs(seed: int = 0) -> dict:
    key = jax.random.key(seed)
    k1, k2, k3, k4, k5, k6 = jax.random.split(key, 6)
    inputs = jax.random.randint(k1, (CONTEXT,), 0, VOCAB, dtype=jnp.int64 if jax.config.jax_enable_x64 else jnp.int32)
    embed = jax.random.normal(k2, (VOCAB, EMBED_DIM), dtype=jnp.float32)
    b1 = 1.0 / np.sqrt(EMBED_DIM)
    fc1_w = jax.random.uniform(k3, (HIDDEN, EMBED_DIM), dtype=jnp.float32, minval=-b1, maxval=b1)
    fc1_b = jax.random.uniform(k4, (HIDDEN,), dtype=jnp.float32, minval=-b1, maxval=b1)
    b2 = 1.0 / np.sqrt(HIDDEN)
    fc2_w = jax.random.uniform(k5, (VOCAB, HIDDEN), dtype=jnp.float32, minval=-b2, maxval=b2)
    fc2_b = jax.random.uniform(k6, (VOCAB,), dtype=jnp.float32, minval=-b2, maxval=b2)
    return {"inputs": inputs, "embed": embed, "fc1_w": fc1_w, "fc1_b": fc1_b, "fc2_w": fc2_w, "fc2_b": fc2_b}

def reference(inputs, embed, fc1_w, fc1_b, fc2_w, fc2_b):
    # emb = self.embed(inputs).view(self.context, -1)
    emb = jnp.take(embed, inputs, axis=0)          # [CONTEXT, EMBED_DIM]
    emb = emb.reshape(CONTEXT, -1)                 # [CONTEXT, EMBED_DIM]
    # emb = torch.sum(emb, dim=0)
    s = jnp.sum(emb, axis=0)                       # [EMBED_DIM]
    # out = self.fc1(emb); relu
    out = s @ fc1_w.T + fc1_b                      # [HIDDEN]
    out = jnp.maximum(out, 0.0)
    # out = self.fc2(out)
    out = out @ fc2_w.T + fc2_b                    # [VOCAB]
    # log_probs = F.log_softmax(out, dim=0)
    log_probs = jax.nn.log_softmax(out, axis=0)
    return log_probs

if __name__ == "__main__":
    import jax
    _d = setup_inputs()
    print(jax.jit(kernel)(*tuple(_d.values())))

</pallas_src>

<mosaic_0001>
#map = affine_map<(d0, d1) -> (0)>
#map1 = affine_map<(d0, d1) -> (0, 0)>
module attributes {stable_mosaic.version = 14 : i64} {
  func.func @k(%arg0: i32, %arg1: i32, %arg2: memref<20xi32, #tpu.memory_space<hbm>>, %arg3: memref<64x100000xf32, #tpu.memory_space<hbm>>, %arg4: memref<16x64xf32, #tpu.memory_space<hbm>>, %arg5: memref<36xi32, #tpu.memory_space<vmem>>, %arg6: memref<2x64x128xf32, #tpu.memory_space<vmem>>, %arg7: memref<1x64xf32, #tpu.memory_space<vmem>>, %arg8: memref<!tpu.dma_semaphore, #tpu.memory_space<semaphore_mem>>) attributes {dimension_semantics = [#tpu.dimension_semantics<core_parallel>, #tpu.dimension_semantics<subcore_parallel>], iteration_bounds = array<i64: 2, 16>, scalar_prefetch = 0 : i64, scratch_operands = 4 : i64, tpu.core_type = #tpu.core_type<sc_vector_subcore>, window_params = [{transform_indices = #map}, {transform_indices = #map1}, {transform_indices = #map1}]} {
    %eq3A = arith.constant 0 : i32
    %eq3A_0 = arith.cmpi eq, %arg0, %eq3A : i32
    %convert_element_type3A = arith.extui %eq3A_0 : i1 to i32
    %cond3A = arith.constant 0 : i32
    %cond3A_1 = arith.cmpi ne, %convert_element_type3A, %cond3A : i32
    scf.if %cond3A_1 {
      "tpu.region"() ({
        %run_scoped3A = tpu.sem_alloc : memref<!tpu.dma_semaphore, #tpu.memory_space<semaphore_mem>>
        %dma_start3A_72 = arith.constant 0 : i32
        %dma_start3A_73 = tpu.memref_slice %arg5[%dma_start3A_72] : memref<36xi32, #tpu.memory_space<vmem>> -> memref<20xi32, #tpu.memory_space<vmem>>
        %dma_start3A_74 = arith.constant 0 : i32
        %dma_start3A_75 = tpu.memref_slice %arg5[%dma_start3A_74] : memref<36xi32, #tpu.memory_space<vmem>> -> memref<20xi32, #tpu.memory_space<vmem>>
        tpu.enqueue_dma source(%arg2 : memref<20xi32, #tpu.memory_space<hbm>>) target(%dma_start3A_75 : memref<20xi32, #tpu.memory_space<vmem>>) target_semaphore(%run_scoped3A : memref<!tpu.dma_semaphore, #tpu.memory_space<semaphore_mem>>)
        %dma_wait3A_76 = arith.constant 0 : i32
        %dma_wait3A_77 = tpu.memref_slice %arg5[%dma_wait3A_76] : memref<36xi32, #tpu.memory_space<vmem>> -> memref<20xi32, #tpu.memory_space<vmem>>
        %dma_wait3A_78 = arith.constant 0 : i32
        %dma_wait3A_79 = tpu.memref_slice %arg5[%dma_wait3A_78] : memref<36xi32, #tpu.memory_space<vmem>> -> memref<20xi32, #tpu.memory_space<vmem>>
        tpu.wait_dma2 semaphore(%run_scoped3A : memref<!tpu.dma_semaphore, #tpu.memory_space<semaphore_mem>>) src(%arg2 : memref<20xi32, #tpu.memory_space<hbm>>) dst(%dma_wait3A_79 : memref<20xi32, #tpu.memory_space<vmem>>)
        tpu.yield
      }) : () -> ()
      %broadcast_in_dim3A = vector.broadcast %arg1 : i32 to vector<16xi32>
      %gather3A = tpu.vector_load_idx %arg5[%broadcast_in_dim3A] : memref<36xi32, #tpu.memory_space<vmem>>[vector<16xi32>], vector<16xi32>,
      %slice3A = vector.extract_strided_slice %gather3A {offsets = [0], sizes = [1], strides = [1]} : vector<16xi32> to vector<1xi32>
      %squeeze3A = vector.extract %slice3A[0] : i32 from vector<1xi32>
      %shift_right_arithmetic3A = arith.constant 7 : i32
      %shift_right_arithmetic3A_2 = arith.shrsi %squeeze3A, %shift_right_arithmetic3A : i32
      %mul3A = arith.constant 128 : i32
      %mul3A_3 = arith.muli %shift_right_arithmetic3A_2, %mul3A : i32
      %multiple_of3A = tpu.assume_multiple %mul3A_3, 128 : i32
      %dma_start3A = arith.constant 0 : i32
      %dma_start3A_4 = arith.constant 0 : i32
      %dma_start3A_5 = arith.constant 0 : i32
      %dma_start3A_6 = tpu.memref_slice %arg6[%dma_start3A, %dma_start3A_4, %dma_start3A_5] : memref<2x64x128xf32, #tpu.memory_space<vmem>> -> memref<1x64x128xf32, #tpu.memory_space<vmem>>
      %dma_start3A_7 = tpu.memref_squeeze %dma_start3A_6 : memref<1x64x128xf32, #tpu.memory_space<vmem>> -> memref<64x128xf32, #tpu.memory_space<vmem>>
      %dma_start3A_8 = arith.constant 0 : i32
      %dma_start3A_9 = tpu.memref_slice %arg3[%dma_start3A_8, %multiple_of3A] : memref<64x100000xf32, #tpu.memory_space<hbm>> -> memref<64x128xf32, #tpu.memory_space<hbm>>
      %dma_start3A_10 = arith.constant 0 : i32
      %dma_start3A_11 = arith.constant 0 : i32
      %dma_start3A_12 = tpu.memref_slice %arg6[%dma_start3A, %dma_start3A_10, %dma_start3A_11] : memref<2x64x128xf32, #tpu.memory_space<vmem>> -> memref<1x64x128xf32, #tpu.memory_space<vmem>>
      %dma_start3A_13 = tpu.memref_squeeze %dma_start3A_12 : memref<1x64x128xf32, #tpu.memory_space<vmem>> -> memref<64x128xf32, #tpu.memory_space<vmem>>
      %dma_start3A_14 = arith.constant 0 : i32
      %dma_start3A_15 = tpu.memref_slice %arg3[%dma_start3A_14, %multiple_of3A] : memref<64x100000xf32, #tpu.memory_space<hbm>> -> memref<64x128xf32, #tpu.memory_space<hbm>>
      tpu.enqueue_dma source(%dma_start3A_15 : memref<64x128xf32, #tpu.memory_space<hbm>>) target(%dma_start3A_13 : memref<64x128xf32, #tpu.memory_space<vmem>>) target_semaphore(%arg8 : memref<!tpu.dma_semaphore, #tpu.memory_space<semaphore_mem>>)
      %and3A = arith.constant 127 : i32
      %and3A_16 = arith.andi %squeeze3A, %and3A : i32
      %lt3A = arith.constant 4 : i32
      %lt3A_17 = arith.cmpi slt, %arg1, %lt3A : i32
      %convert_element_type3A_18 = arith.extui %lt3A_17 : i1 to i32
      %cond3A_19 = arith.constant 0 : i32
      %cond3A_20 = arith.cmpi ne, %convert_element_type3A_18, %cond3A_19 : i32
      scf.if %cond3A_20 {
        %add3A_72 = arith.constant 16 : i32
        %add3A_73 = arith.addi %arg1, %add3A_72 : i32
        %broadcast_in_dim3A_74 = vector.broadcast %add3A_73 : i32 to vector<16xi32>
        %gather3A_75 = tpu.vector_load_idx %arg5[%broadcast_in_dim3A_74] : memref<36xi32, #tpu.memory_space<vmem>>[vector<16xi32>], vector<16xi32>,
        %slice3A_76 = vector.extract_strided_slice %gather3A_75 {offsets = [0], sizes = [1], strides = [1]} : vector<16xi32> to vector<1xi32>
        %squeeze3A_77 = vector.extract %slice3A_76[0] : i32 from vector<1xi32>
        %shift_right_arithmetic3A_78 = arith.constant 7 : i32
        %shift_right_arithmetic3A_79 = arith.shrsi %squeeze3A_77, %shift_right_arithmetic3A_78 : i32
        %mul3A_80 = arith.constant 128 : i32
        %mul3A_81 = arith.muli %shift_right_arithmetic3A_79, %mul3A_80 : i32
        %multiple_of3A_82 = tpu.assume_multiple %mul3A_81, 128 : i32
        %dma_start3A_83 = arith.constant 1 : i32
        %dma_start3A_84 = arith.constant 0 : i32
        %dma_start3A_85 = arith.constant 0 : i32
        %dma_start3A_86 = tpu.memref_slice %arg6[%dma_start3A_83, %dma_start3A_84, %dma_start3A_85] : memref<2x64x128xf32, #tpu.memory_space<vmem>> -> memref<1x64x128xf32, #tpu.memory_space<vmem>>
        %dma_start3A_87 = tpu.memref_squeeze %dma_start3A_86 : memref<1x64x128xf32, #tpu.memory_space<vmem>> -> memref<64x128xf32, #tpu.memory_space<vmem>>
        %dma_start3A_88 = arith.constant 0 : i32
        %dma_start3A_89 = tpu.memref_slice %arg3[%dma_start3A_88, %multiple_of3A_82] : memref<64x100000xf32, #tpu.memory_space<hbm>> -> memref<64x128xf32, #tpu.memory_space<hbm>>
        %dma_start3A_90 = arith.constant 0 : i32
        %dma_start3A_91 = arith.constant 0 : i32
        %dma_start3A_92 = tpu.memref_slice %arg6[%dma_start3A_83, %dma_start3A_90, %dma_start3A_91] : memref<2x64x128xf32, #tpu.memory_space<vmem>> -> memref<1x64x128xf32, #tpu.memory_space<vmem>>
        %dma_start3A_93 = tpu.memref_squeeze %dma_start3A_92 : memref<1x64x128xf32, #tpu.memory_space<vmem>> -> memref<64x128xf32, #tpu.memory_space<vmem>>
        %dma_start3A_94 = arith.constant 0 : i32
        %dma_start3A_95 = tpu.memref_slice %arg3[%dma_start3A_94, %multiple_of3A_82] : memref<64x100000xf32, #tpu.memory_space<hbm>> -> memref<64x128xf32, #tpu.memory_space<hbm>>
        tpu.enqueue_dma source(%dma_start3A_95 : memref<64x128xf32, #tpu.memory_space<hbm>>) target(%dma_start3A_93 : memref<64x128xf32, #tpu.memory_space<vmem>>) target_semaphore(%arg8 : memref<!tpu.dma_semaphore, #tpu.memory_space<semaphore_mem>>)
        %and3A_96 = arith.constant 127 : i32
        %and3A_97 = arith.andi %squeeze3A_77, %and3A_96 : i32
        %dma_wait3A_98 = arith.constant 1 : i32
        %dma_wait3A_99 = arith.constant 0 : i32
        %dma_wait3A_100 = arith.constant 0 : i32
        %dma_wait3A_101 = tpu.memref_slice %arg6[%dma_wait3A_98, %dma_wait3A_99, %dma_wait3A_100] : memref<2x64x128xf32, #tpu.memory_space<vmem>> -> memref<1x64x128xf32, #tpu.memory_space<vmem>>
        %dma_wait3A_102 = tpu.memref_squeeze %dma_wait3A_101 : memref<1x64x128xf32, #tpu.memory_space<vmem>> -> memref<64x128xf32, #tpu.memory_space<vmem>>
        %dma_wait3A_103 = arith.constant 0 : i32
        %dma_wait3A_104 = tpu.memref_slice %arg3[%dma_wait3A_103, %multiple_of3A_82] : memref<64x100000xf32, #tpu.memory_space<hbm>> -> memref<64x128xf32, #tpu.memory_space<hbm>>
        %dma_wait3A_105 = arith.constant 0 : i32
        %dma_wait3A_106 = arith.constant 0 : i32
        %dma_wait3A_107 = tpu.memref_slice %arg6[%dma_wait3A_98, %dma_wait3A_105, %dma_wait3A_106] : memref<2x64x128xf32, #tpu.memory_space<vmem>> -> memref<1x64x128xf32, #tpu.memory_space<vmem>>
        %dma_wait3A_108 = tpu.memref_squeeze %dma_wait3A_107 : memref<1x64x128xf32, #tpu.memory_space<vmem>> -> memref<64x128xf32, #tpu.memory_space<vmem>>
        %dma_wait3A_109 = arith.constant 0 : i32
        %dma_wait3A_110 = tpu.memref_slice %arg3[%dma_wait3A_109, %multiple_of3A_82] : memref<64x100000xf32, #tpu.memory_space<hbm>> -> memref<64x128xf32, #tpu.memory_space<hbm>>
        tpu.wait_dma2 semaphore(%arg8 : memref<!tpu.dma_semaphore, #tpu.memory_space<semaphore_mem>>) src(%dma_wait3A_110 : memref<64x128xf32, #tpu.memory_space<hbm>>) dst(%dma_wait3A_108 : memref<64x128xf32, #tpu.memory_space<vmem>>)
      } else {
      }
      %dma_wait3A = arith.constant 0 : i32
      %dma_wait3A_21 = arith.constant 0 : i32
      %dma_wait3A_22 = arith.constant 0 : i32
      %dma_wait3A_23 = tpu.memref_slice %arg6[%dma_wait3A, %dma_wait3A_21, %dma_wait3A_22] : memref<2x64x128xf32, #tpu.memory_space<vmem>> -> memref<1x64x128xf32, #tpu.memory_space<vmem>>
      %dma_wait3A_24 = tpu.memref_squeeze %dma_wait3A_23 : memref<1x64x128xf32, #tpu.memory_space<vmem>> -> memref<64x128xf32, #tpu.memory_space<vmem>>
      %dma_wait3A_25 = arith.constant 0 : i32
      %dma_wait3A_26 = tpu.memref_slice %arg3[%dma_wait3A_25, %multiple_of3A] : memref<64x100000xf32, #tpu.memory_space<hbm>> -> memref<64x128xf32, #tpu.memory_space<hbm>>
      %dma_wait3A_27 = arith.constant 0 : i32
      %dma_wait3A_28 = arith.constant 0 : i32
      %dma_wait3A_29 = tpu.memref_slice %arg6[%dma_wait3A, %dma_wait3A_27, %dma_wait3A_28] : memref<2x64x128xf32, #tpu.memory_space<vmem>> -> memref<1x64x128xf32, #tpu.memory_space<vmem>>
      %dma_wait3A_30 = tpu.memref_squeeze %dma_wait3A_29 : memref<1x64x128xf32, #tpu.memory_space<vmem>> -> memref<64x128xf32, #tpu.memory_space<vmem>>
      %dma_wait3A_31 = arith.constant 0 : i32
      %dma_wait3A_32 = tpu.memref_slice %arg3[%dma_wait3A_31, %multiple_of3A] : memref<64x100000xf32, #tpu.memory_space<hbm>> -> memref<64x128xf32, #tpu.memory_space<hbm>>
      tpu.wait_dma2 semaphore(%arg8 : memref<!tpu.dma_semaphore, #tpu.memory_space<semaphore_mem>>) src(%dma_wait3A_32 : memref<64x128xf32, #tpu.memory_space<hbm>>) dst(%dma_wait3A_30 : memref<64x128xf32, #tpu.memory_space<vmem>>)
      %iota3A = tpu.iota {dimensions = array<i32: 0>} : vector<16xi32>
      %add3A = arith.constant 0 : i32
      %add3A_33 = vector.broadcast %add3A : i32 to vector<16xi32>
      %add3A_34 = arith.addi %iota3A, %add3A_33 : vector<16xi32>
      %broadcast_in_dim3A_35 = arith.constant 0 : i32
      %broadcast_in_dim3A_36 = vector.broadcast %broadcast_in_dim3A_35 : i32 to vector<16xi32>
      %broadcast_in_dim3A_37 = vector.broadcast %and3A_16 : i32 to vector<16xi32>
      %gather3A_38 = tpu.vector_load_idx %arg6[%broadcast_in_dim3A_36, %add3A_34, %broadcast_in_dim3A_37] : memref<2x64x128xf32, #tpu.memory_space<vmem>>[vector<16xi32>, vector<16xi32>, vector<16xi32>], vector<16xf32>,
      %iota3A_39 = tpu.iota {dimensions = array<i32: 0>} : vector<16xi32>
      %add3A_40 = arith.constant 16 : i32
      %add3A_41 = vector.broadcast %add3A_40 : i32 to vector<16xi32>
      %add3A_42 = arith.addi %iota3A_39, %add3A_41 : vector<16xi32>
      %broadcast_in_dim3A_43 = arith.constant 0 : i32
      %broadcast_in_dim3A_44 = vector.broadcast %broadcast_in_dim3A_43 : i32 to vector<16xi32>
      %broadcast_in_dim3A_45 = vector.broadcast %and3A_16 : i32 to vector<16xi32>
      %gather3A_46 = tpu.vector_load_idx %arg6[%broadcast_in_dim3A_44, %add3A_42, %broadcast_in_dim3A_45] : memref<2x64x128xf32, #tpu.memory_space<vmem>>[vector<16xi32>, vector<16xi32>, vector<16xi32>], vector<16xf32>,
      %iota3A_47 = tpu.iota {dimensions = array<i32: 0>} : vector<16xi32>
      %add3A_48 = arith.constant 32 : i32
      %add3A_49 = vector.broadcast %add3A_48 : i32 to vector<16xi32>
      %add3A_50 = arith.addi %iota3A_47, %add3A_49 : vector<16xi32>
      %broadcast_in_dim3A_51 = arith.constant 0 : i32
      %broadcast_in_dim3A_52 = vector.broadcast %broadcast_in_dim3A_51 : i32 to vector<16xi32>
      %broadcast_in_dim3A_53 = vector.broadcast %and3A_16 : i32 to vector<16xi32>
      %gather3A_54 = tpu.vector_load_idx %arg6[%broadcast_in_dim3A_52, %add3A_50, %broadcast_in_dim3A_53] : memref<2x64x128xf32, #tpu.memory_space<vmem>>[vector<16xi32>, vector<16xi32>, vector<16xi32>], vector<16xf32>,
      %iota3A_55 = tpu.iota {dimensions = array<i32: 0>} : vector<16xi32>
      %add3A_56 = arith.constant 48 : i32
      %add3A_57 = vector.broadcast %add3A_56 : i32 to vector<16xi32>
      %add3A_58 = arith.addi %iota3A_55, %add3A_57 : vector<16xi32>
      %broadcast_in_dim3A_59 = arith.constant 0 : i32
      %broadcast_in_dim3A_60 = vector.broadcast %broadcast_in_dim3A_59 : i32 to vector<16xi32>
      %broadcast_in_dim3A_61 = vector.broadcast %and3A_16 : i32 to vector<16xi32>
      %gather3A_62 = tpu.vector_load_idx %arg6[%broadcast_in_dim3A_60, %add3A_58, %broadcast_in_dim3A_61] : memref<2x64x128xf32, #tpu.memory_space<vmem>>[vector<16xi32>, vector<16xi32>, vector<16xi32>], vector<16xf32>,
      %lt3A_63 = arith.constant 4 : i32
      %lt3A_64 = arith.cmpi slt, %arg1, %lt3A_63 : i32
      %convert_element_type3A_65 = arith.extui %lt3A_64 : i1 to i32
      %cond3A_66 = arith.constant 0 : i32
      %cond3A_67 = arith.cmpi ne, %convert_element_type3A_65, %cond3A_66 : i32
      scf.if %cond3A_67 {
        %add3A_72 = arith.constant 16 : i32
        %add3A_73 = arith.addi %arg1, %add3A_72 : i32
        %broadcast_in_dim3A_74 = vector.broadcast %add3A_73 : i32 to vector<16xi32>
        %gather3A_75 = tpu.vector_load_idx %arg5[%broadcast_in_dim3A_74] : memref<36xi32, #tpu.memory_space<vmem>>[vector<16xi32>], vector<16xi32>,
        %slice3A_76 = vector.extract_strided_slice %gather3A_75 {offsets = [0], sizes = [1], strides = [1]} : vector<16xi32> to vector<1xi32>
        %squeeze3A_77 = vector.extract %slice3A_76[0] : i32 from vector<1xi32>
        %and3A_78 = arith.constant 127 : i32
        %and3A_79 = arith.andi %squeeze3A_77, %and3A_78 : i32
        %iota3A_80 = tpu.iota {dimensions = array<i32: 0>} : vector<16xi32>
        %add3A_81 = arith.constant 0 : i32
        %add3A_82 = vector.broadcast %add3A_81 : i32 to vector<16xi32>
        %add3A_83 = arith.addi %iota3A_80, %add3A_82 : vector<16xi32>
        %broadcast_in_dim3A_84 = arith.constant 1 : i32
        %broadcast_in_dim3A_85 = vector.broadcast %broadcast_in_dim3A_84 : i32 to vector<16xi32>
        %broadcast_in_dim3A_86 = vector.broadcast %and3A_79 : i32 to vector<16xi32>
        %gather3A_87 = tpu.vector_load_idx %arg6[%broadcast_in_dim3A_85, %add3A_83, %broadcast_in_dim3A_86] : memref<2x64x128xf32, #tpu.memory_space<vmem>>[vector<16xi32>, vector<16xi32>, vector<16xi32>], vector<16xf32>,
        %iota3A_88 = tpu.iota {dimensions = array<i32: 0>} : vector<16xi32>
        %add3A_89 = arith.constant 16 : i32
        %add3A_90 = vector.broadcast %add3A_89 : i32 to vector<16xi32>
        %add3A_91 = arith.addi %iota3A_88, %add3A_90 : vector<16xi32>
        %broadcast_in_dim3A_92 = arith.constant 1 : i32
        %broadcast_in_dim3A_93 = vector.broadcast %broadcast_in_dim3A_92 : i32 to vector<16xi32>
        %broadcast_in_dim3A_94 = vector.broadcast %and3A_79 : i32 to vector<16xi32>
        %gather3A_95 = tpu.vector_load_idx %arg6[%broadcast_in_dim3A_93, %add3A_91, %broadcast_in_dim3A_94] : memref<2x64x128xf32, #tpu.memory_space<vmem>>[vector<16xi32>, vector<16xi32>, vector<16xi32>], vector<16xf32>,
        %iota3A_96 = tpu.iota {dimensions = array<i32: 0>} : vector<16xi32>
        %add3A_97 = arith.constant 32 : i32
        %add3A_98 = vector.broadcast %add3A_97 : i32 to vector<16xi32>
        %add3A_99 = arith.addi %iota3A_96, %add3A_98 : vector<16xi32>
        %broadcast_in_dim3A_100 = arith.constant 1 : i32
        %broadcast_in_dim3A_101 = vector.broadcast %broadcast_in_dim3A_100 : i32 to vector<16xi32>
        %broadcast_in_dim3A_102 = vector.broadcast %and3A_79 : i32 to vector<16xi32>
        %gather3A_103 = tpu.vector_load_idx %arg6[%broadcast_in_dim3A_101, %add3A_99, %broadcast_in_dim3A_102] : memref<2x64x128xf32, #tpu.memory_space<vmem>>[vector<16xi32>, vector<16xi32>, vector<16xi32>], vector<16xf32>,
        %iota3A_104 = tpu.iota {dimensions = array<i32: 0>} : vector<16xi32>
        %add3A_105 = arith.constant 48 : i32
        %add3A_106 = vector.broadcast %add3A_105 : i32 to vector<16xi32>
        %add3A_107 = arith.addi %iota3A_104, %add3A_106 : vector<16xi32>
        %broadcast_in_dim3A_108 = arith.constant 1 : i32
        %broadcast_in_dim3A_109 = vector.broadcast %broadcast_in_dim3A_108 : i32 to vector<16xi32>
        %broadcast_in_dim3A_110 = vector.broadcast %and3A_79 : i32 to vector<16xi32>
        %gather3A_111 = tpu.vector_load_idx %arg6[%broadcast_in_dim3A_109, %add3A_107, %broadcast_in_dim3A_110] : memref<2x64x128xf32, #tpu.memory_space<vmem>>[vector<16xi32>, vector<16xi32>, vector<16xi32>], vector<16xf32>,
        %add3A_112 = arith.addf %gather3A_38, %gather3A_87 : vector<16xf32>
        %swap3A = arith.constant 0 : i32
        %swap3A_113 = arith.index_cast %swap3A : i32 to index
        %swap3A_114 = arith.constant 0 : index
        %swap3A_115 = tpu.vector_load %arg7[%swap3A_113, %swap3A_114] {strides = array<i32>} : memref<1x64xf32, #tpu.memory_space<vmem>>, vector<16xf32>,
        tpu.vector_store %arg7[%swap3A_113, %swap3A_114], %add3A_112 {strides = array<i32>} : memref<1x64xf32, #tpu.memory_space<vmem>>, vector<16xf32>,
        %add3A_116 = arith.addf %gather3A_46, %gather3A_95 : vector<16xf32>
        %swap3A_117 = arith.constant 0 : i32
        %swap3A_118 = arith.index_cast %swap3A_117 : i32 to index
        %swap3A_119 = arith.constant 16 : index
        %swap3A_120 = tpu.vector_load %arg7[%swap3A_118, %swap3A_119] {strides = array<i32>} : memref<1x64xf32, #tpu.memory_space<vmem>>, vector<16xf32>,
        tpu.vector_store %arg7[%swap3A_118, %swap3A_119], %add3A_116 {strides = array<i32>} : memref<1x64xf32, #tpu.memory_space<vmem>>, vector<16xf32>,
        %add3A_121 = arith.addf %gather3A_54, %gather3A_103 : vector<16xf32>
        %swap3A_122 = arith.constant 0 : i32
        %swap3A_123 = arith.index_cast %swap3A_122 : i32 to index
        %swap3A_124 = arith.constant 32 : index
        %swap3A_125 = tpu.vector_load %arg7[%swap3A_123, %swap3A_124] {strides = array<i32>} : memref<1x64xf32, #tpu.memory_space<vmem>>, vector<16xf32>,
        tpu.vector_store %arg7[%swap3A_123, %swap3A_124], %add3A_121 {strides = array<i32>} : memref<1x64xf32, #tpu.memory_space<vmem>>, vector<16xf32>,
        %add3A_126 = arith.addf %gather3A_62, %gather3A_111 : vector<16xf32>
        %swap3A_127 = arith.constant 0 : i32
        %swap3A_128 = arith.index_cast %swap3A_127 : i32 to index
        %swap3A_129 = arith.constant 48 : index
        %swap3A_130 = tpu.vector_load %arg7[%swap3A_128, %swap3A_129] {strides = array<i32>} : memref<1x64xf32, #tpu.memory_space<vmem>>, vector<16xf32>,
        tpu.vector_store %arg7[%swap3A_128, %swap3A_129], %add3A_126 {strides = array<i32>} : memref<1x64xf32, #tpu.memory_space<vmem>>, vector<16xf32>,
      } else {
      }
      %ge3A = arith.constant 4 : i32
      %ge3A_68 = arith.cmpi sge, %arg1, %ge3A : i32
      %convert_element_type3A_69 = arith.extui %ge3A_68 : i1 to i32
      %cond3A_70 = arith.constant 0 : i32
      %cond3A_71 = arith.cmpi ne, %convert_element_type3A_69, %cond3A_70 : i32
      scf.if %cond3A_71 {
        %swap3A = arith.constant 0 : i32
        %swap3A_72 = arith.index_cast %swap3A : i32 to index
        %swap3A_73 = arith.constant 0 : index
        %swap3A_74 = tpu.vector_load %arg7[%swap3A_72, %swap3A_73] {strides = array<i32>} : memref<1x64xf32, #tpu.memory_space<vmem>>, vector<16xf32>,
        tpu.vector_store %arg7[%swap3A_72, %swap3A_73], %gather3A_38 {strides = array<i32>} : memref<1x64xf32, #tpu.memory_space<vmem>>, vector<16xf32>,
        %swap3A_75 = arith.constant 0 : i32
        %swap3A_76 = arith.index_cast %swap3A_75 : i32 to index
        %swap3A_77 = arith.constant 16 : index
        %swap3A_78 = tpu.vector_load %arg7[%swap3A_76, %swap3A_77] {strides = array<i32>} : memref<1x64xf32, #tpu.memory_space<vmem>>, vector<16xf32>,
        tpu.vector_store %arg7[%swap3A_76, %swap3A_77], %gather3A_46 {strides = array<i32>} : memref<1x64xf32, #tpu.memory_space<vmem>>, vector<16xf32>,
        %swap3A_79 = arith.constant 0 : i32
        %swap3A_80 = arith.index_cast %swap3A_79 : i32 to index
        %swap3A_81 = arith.constant 32 : index
        %swap3A_82 = tpu.vector_load %arg7[%swap3A_80, %swap3A_81] {strides = array<i32>} : memref<1x64xf32, #tpu.memory_space<vmem>>, vector<16xf32>,
        tpu.vector_store %arg7[%swap3A_80, %swap3A_81], %gather3A_54 {strides = array<i32>} : memref<1x64xf32, #tpu.memory_space<vmem>>, vector<16xf32>,
        %swap3A_83 = arith.constant 0 : i32
        %swap3A_84 = arith.index_cast %swap3A_83 : i32 to index
        %swap3A_85 = arith.constant 48 : index
        %swap3A_86 = tpu.vector_load %arg7[%swap3A_84, %swap3A_85] {strides = array<i32>} : memref<1x64xf32, #tpu.memory_space<vmem>>, vector<16xf32>,
        tpu.vector_store %arg7[%swap3A_84, %swap3A_85], %gather3A_62 {strides = array<i32>} : memref<1x64xf32, #tpu.memory_space<vmem>>, vector<16xf32>,
      } else {
      }
      "tpu.region"() ({
        %run_scoped3A = tpu.sem_alloc : memref<!tpu.dma_semaphore, #tpu.memory_space<semaphore_mem>>
        %dma_start3A_72 = arith.constant 0 : i32
        %dma_start3A_73 = tpu.memref_slice %arg4[%arg1, %dma_start3A_72] : memref<16x64xf32, #tpu.memory_space<hbm>> -> memref<1x64xf32, #tpu.memory_space<hbm>>
        %dma_start3A_74 = arith.constant 0 : i32
        %dma_start3A_75 = tpu.memref_slice %arg4[%arg1, %dma_start3A_74] : memref<16x64xf32, #tpu.memory_space<hbm>> -> memref<1x64xf32, #tpu.memory_space<hbm>>
        tpu.enqueue_dma source(%arg7 : memref<1x64xf32, #tpu.memory_space<vmem>>) target(%dma_start3A_75 : memref<1x64xf32, #tpu.memory_space<hbm>>) target_semaphore(%run_scoped3A : memref<!tpu.dma_semaphore, #tpu.memory_space<semaphore_mem>>)
        %dma_wait3A_76 = arith.constant 0 : i32
        %dma_wait3A_77 = tpu.memref_slice %arg4[%arg1, %dma_wait3A_76] : memref<16x64xf32, #tpu.memory_space<hbm>> -> memref<1x64xf32, #tpu.memory_space<hbm>>
        %dma_wait3A_78 = arith.constant 0 : i32
        %dma_wait3A_79 = tpu.memref_slice %arg4[%arg1, %dma_wait3A_78] : memref<16x64xf32, #tpu.memory_space<hbm>> -> memref<1x64xf32, #tpu.memory_space<hbm>>
        tpu.wait_dma2 semaphore(%run_scoped3A : memref<!tpu.dma_semaphore, #tpu.memory_space<semaphore_mem>>) src(%arg7 : memref<1x64xf32, #tpu.memory_space<vmem>>) dst(%dma_wait3A_79 : memref<1x64xf32, #tpu.memory_space<hbm>>)
        tpu.yield
      }) : () -> ()
    } else {
    }
    return
  }
}

module attributes {stable_mosaic.version = 14 : i64} {
  func.func @_tc_body(%arg0: i32, %arg1: memref<16x64xf32, #tpu.memory_space<vmem>>, %arg2: memref<128x64xf32, #tpu.memory_space<vmem>>, %arg3: memref<1x128xf32, #tpu.memory_space<vmem>>, %arg4: memref<1x5000x128xf32, #tpu.memory_space<vmem>>, %arg5: memref<1x1x5000xf32, #tpu.memory_space<vmem>>, %arg6: memref<20x5000xf32, #tpu.memory_space<vmem>>) attributes {dimension_semantics = [#tpu.dimension_semantics<arbitrary>], iteration_bounds = array<i64: 20>, scalar_prefetch = 0 : i64, scratch_operands = 0 : i64, tpu.core_type = #tpu.core_type<tc>, window_params = [{pipeline_mode = #tpu.pipeline_mode<synchronous>, transform_indices = @transform_0, window_bounds = array<i64: 16, 64>}, {pipeline_mode = #tpu.pipeline_mode<synchronous>, transform_indices = @transform_1, window_bounds = array<i64: 128, 64>}, {pipeline_mode = #tpu.pipeline_mode<synchronous>, transform_indices = @transform_2, window_bounds = array<i64: 1, 128>}, {transform_indices = @transform_3, window_bounds = array<i64: 1, 5000, 128>}, {transform_indices = @transform_4, window_bounds = array<i64: 1, 1, 5000>}, {pipeline_mode = #tpu.pipeline_mode<synchronous>, transform_indices = @transform_5, window_bounds = array<i64: 20, 5000>}]} {
    %get3A = arith.constant 0 : index
    %get3A_0 = arith.constant 0 : index
    %get3A_1 = vector.load %arg1[%get3A, %get3A_0] : memref<16x64xf32, #tpu.memory_space<vmem>>, vector<16x64xf32>
    %reduce_sum3A = arith.constant dense<0.000000e+00> : vector<64xf32>
    %reduce_sum3A_2 = vector.multi_reduction <add>, %get3A_1, %reduce_sum3A [0] : vector<16x64xf32> to vector<64xf32>
    %broadcast_in_dim3A = vector.shape_cast %reduce_sum3A_2 : vector<64xf32> to vector<1x64xf32>
    %get3A_3 = arith.constant 0 : index
    %get3A_4 = arith.constant 0 : index
    %get3A_5 = vector.load %arg2[%get3A_3, %get3A_4] : memref<128x64xf32, #tpu.memory_space<vmem>>, vector<128x64xf32>
    %dot_general3A = arith.constant dense<0.000000e+00> : vector<1x128xf32>
    %dot_general3A_6 = tpu.matmul %broadcast_in_dim3A, %get3A_5, %dot_general3A {dimension_numbers = #tpu.dot_dimension_numbers<[1], [1], [0], [0], [0, 0, 1, 0], [], []>, transpose_lhs_hint = false} : vector<1x64xf32>, vector<128x64xf32>, vector<1x128xf32> -> vector<1x128xf32>
    %get3A_7 = arith.constant 0 : index
    %get3A_8 = arith.constant 0 : index
    %get3A_9 = vector.load %arg3[%get3A_7, %get3A_8] : memref<1x128xf32, #tpu.memory_space<vmem>>, vector<1x128xf32>
    %add3A = arith.addf %dot_general3A_6, %get3A_9 : vector<1x128xf32>
    %max3A = arith.constant 0.000000e+00 : f32
    %max3A_10 = vector.broadcast %max3A : f32 to vector<1x128xf32>
    %max3A_11 = arith.maximumf %add3A, %max3A_10 : vector<1x128xf32>
    %get3A_12 = arith.constant 0 : index
    %get3A_13 = arith.constant 0 : index
    %get3A_14 = arith.constant 0 : index
    %get3A_15 = vector.load %arg4[%get3A_12, %get3A_13, %get3A_14] : memref<1x5000x128xf32, #tpu.memory_space<vmem>>, vector<1x5000x128xf32>
    %get3A_16 = vector.shape_cast %get3A_15 : vector<1x5000x128xf32> to vector<5000x128xf32>
    %dot_general3A_17 = arith.constant dense<0.000000e+00> : vector<1x5000xf32>
    %dot_general3A_18 = tpu.matmul %max3A_11, %get3A_16, %dot_general3A_17 {dimension_numbers = #tpu.dot_dimension_numbers<[1], [1], [0], [0], [0, 0, 1, 0], [], []>, transpose_lhs_hint = false} : vector<1x128xf32>, vector<5000x128xf32>, vector<1x5000xf32> -> vector<1x5000xf32>
    %get3A_19 = arith.constant 0 : index
    %get3A_20 = arith.constant 0 : index
    %get3A_21 = arith.constant 0 : index
    %get3A_22 = vector.load %arg5[%get3A_19, %get3A_20, %get3A_21] : memref<1x1x5000xf32, #tpu.memory_space<vmem>>, vector<1x1x5000xf32>
    %get3A_23 = vector.shape_cast %get3A_22 : vector<1x1x5000xf32> to vector<1x5000xf32>
    %add3A_24 = arith.addf %dot_general3A_18, %get3A_23 : vector<1x5000xf32>
    %swap3A = arith.index_cast %arg0 : i32 to index
    %swap3A_25 = arith.constant 0 : index
    %swap3A_26 = vector.load %arg6[%swap3A, %swap3A_25] : memref<20x5000xf32, #tpu.memory_space<vmem>>, vector<1x5000xf32>
    tpu.vector_store %arg6[%swap3A, %swap3A_25], %add3A_24 {strides = array<i32>} : memref<20x5000xf32, #tpu.memory_space<vmem>>, vector<1x5000xf32>,
    %eq3A = arith.constant 19 : i32
    %eq3A_27 = arith.cmpi eq, %arg0, %eq3A : i32
    %convert_element_type3A = arith.extui %eq3A_27 : i1 to i32
    %cond3A = arith.constant 0 : i32
    %cond3A_28 = arith.cmpi ne, %convert_element_type3A, %cond3A : i32
    scf.if %cond3A_28 {
      %get3A_29 = arith.constant 0 : index
      %get3A_30 = arith.constant 0 : index
      %get3A_31 = vector.load %arg6[%get3A_29, %get3A_30] : memref<20x5000xf32, #tpu.memory_space<vmem>>, vector<20x5000xf32>
      %reduce_max3A = vector.shape_cast %get3A_31 : vector<20x5000xf32> to vector<1x20x5000xf32>
      %reduce_max3A_32 = arith.constant dense<0xFF800000> : vector<1xf32>
      %reduce_max3A_33 = vector.multi_reduction <maximumf>, %reduce_max3A, %reduce_max3A_32 [1, 2] : vector<1x20x5000xf32> to vector<1xf32>
      %reduce_max3A_34 = vector.shape_cast %reduce_max3A_33 : vector<1xf32> to vector<1x1x1xf32>
      %reduce_max3A_35 = vector.extract %reduce_max3A_34[0, 0, 0] : f32 from vector<1x1x1xf32>
      %sub3A = vector.broadcast %reduce_max3A_35 : f32 to vector<20x5000xf32>
      %sub3A_36 = arith.subf %get3A_31, %sub3A : vector<20x5000xf32>
      %exp3A = math.exp %sub3A_36 : vector<20x5000xf32>
      %reduce_sum3A_37 = vector.shape_cast %exp3A : vector<20x5000xf32> to vector<1x20x5000xf32>
      %reduce_sum3A_38 = arith.constant dense<0.000000e+00> : vector<1xf32>
      %reduce_sum3A_39 = vector.multi_reduction <add>, %reduce_sum3A_37, %reduce_sum3A_38 [1, 2] : vector<1x20x5000xf32> to vector<1xf32>
      %reduce_sum3A_40 = vector.shape_cast %reduce_sum3A_39 : vector<1xf32> to vector<1x1x1xf32>
      %reduce_sum3A_41 = vector.extract %reduce_sum3A_40[0, 0, 0] : f32 from vector<1x1x1xf32>
      %log3A = math.log %reduce_sum3A_41 : f32
      %add3A_42 = arith.addf %reduce_max3A_35, %log3A : f32
      %sub3A_43 = vector.broadcast %add3A_42 : f32 to vector<20x5000xf32>
      %sub3A_44 = arith.subf %get3A_31, %sub3A_43 : vector<20x5000xf32>
      %swap3A_45 = arith.constant 0 : index
      %swap3A_46 = arith.constant 0 : index
      %swap3A_47 = vector.load %arg6[%swap3A_45, %swap3A_46] : memref<20x5000xf32, #tpu.memory_space<vmem>>, vector<20x5000xf32>
      tpu.vector_store %arg6[%swap3A_45, %swap3A_46], %sub3A_44 {strides = array<i32>} : memref<20x5000xf32, #tpu.memory_space<vmem>>, vector<20x5000xf32>,
    } else {
    }
    return
  }
  func.func @transform_0(%arg0: i32) -> (i32, i32) {
    %c0_i32 = arith.constant 0 : i32
    %c0_i32_0 = arith.constant 0 : i32
    %c0_i32_1 = arith.constant 0 : i32
    return %c0_i32, %c0_i32_0 : i32, i32
  }
  func.func @transform_1(%arg0: i32) -> (i32, i32) {
    %c0_i32 = arith.constant 0 : i32
    %c0_i32_0 = arith.constant 0 : i32
    %c0_i32_1 = arith.constant 0 : i32
    return %c0_i32, %c0_i32_0 : i32, i32
  }
  func.func @transform_2(%arg0: i32) -> (i32, i32) {
    %c0_i32 = arith.constant 0 : i32
    %c0_i32_0 = arith.constant 0 : i32
    %c0_i32_1 = arith.constant 0 : i32
    return %c0_i32, %c0_i32_0 : i32, i32
  }
  func.func @transform_3(%arg0: i32) -> (i32, i32, i32) {
    %c0_i32 = arith.constant 0 : i32
    %c0_i32_0 = arith.constant 0 : i32
    %c0_i32_1 = arith.constant 0 : i32
    return %arg0, %c0_i32, %c0_i32_0 : i32, i32, i32
  }
  func.func @transform_4(%arg0: i32) -> (i32, i32, i32) {
    %c0_i32 = arith.constant 0 : i32
    %c0_i32_0 = arith.constant 0 : i32
    %c0_i32_1 = arith.constant 0 : i32
    return %arg0, %c0_i32, %c0_i32_0 : i32, i32, i32
  }
  func.func @transform_5(%arg0: i32) -> (i32, i32) {
    %c0_i32 = arith.constant 0 : i32
    %c0_i32_0 = arith.constant 0 : i32
    %c0_i32_1 = arith.constant 0 : i32
    return %c0_i32, %c0_i32_0 : i32, i32
  }
}

</mosaic_0001>

<sc_bundles>
// kernel: kernel.4.cloned.1.call-start
scs
__scs_entry_jumppad:
0x0: {  	(pc) =	sbr.rel $0x88, $3  }
0x1: {  	(tag) =	ssettag $0x0;
	lr =	simm.s32 $0x1  }
0x2: {  	[smem:$0x3F9B] =	sst lr;
	_ =	strace $0xD0000000  }
0x3: {  	_ = 	snop  }
0x4: {  	_ = 	snop  }
0x5: {  	_ = 	snop  }
0x6: {  	_ = 	snop  }
0x7: {  	_ = 	snop  }
__scs_overlays_trampoline_lowered:
0x8: {  	[smem:$0x3FAA] =	sst s0  }
0x9: {  	[smem:$0x3FAB] =	sst s1  }
0xa: {  	[smem:$0x3FAC] =	sst s2  }
0xb: {  	[smem:$0x3FAD] =	sst s3  }
0xc: {  	[smem:$0x3FAE] =	sst s4  }
0xd: {  	[smem:$0x3FAF] =	sst s5  }
0xe: {  	[smem:$0x3FB0] =	sst s6  }
0xf: {  	[smem:$0x3FB1] =	sst s7  }
0x10: {  	[smem:$0x3FB2] =	sst s8  }
0x11: {  	[smem:$0x3FB3] =	sst s9;
	s0 =	simm.s32 @!p0 $0x0  }
0x12: {  	s1 =	sld [smem:$0x3F99];
	s0 =	simm.s32 @p0 $0x1  }
0x13: {  	[smem:$0x3FB4] =	sst s0;
	s0 =	simm.s32 @!p1 $0x0  }
0x14: {  	s2 =	sld [smem:$0x3F98];
	s0 =	simm.s32 @p1 $0x1  }
0x15: {  	[smem:$0x3FB5] =	sst s0;
	s0 =	simm.s32 @!p2 $0x0  }
0x16: {  	s3 =	sld [smem:$0x3FDB];
	s0 =	simm.s32 @p2 $0x1  }
0x17: {  	s4 =	simm.s32 $0x1BF5;
	[smem:$0x3FB7] =	sst s0  }
0x18: {  	s0 =	sld [smem:$0x3F9A];
	_ =	swait.ge [sflag:s4], $0x0  }
0x19: {  	s7 =	sld [smem:$0x3F9B]  }
0x1a: {  	s8 =	sadd.s32 $0xFFFFE003, lr  }
0x1b: {  	s9 =	sadd.s32 $0xFFFFFEF7, lr;
	s5 =	simm.s32 $0xFFFFFFFF;
	p2 =	slt.u32 s8, $0xFFFFF086  }
0x1c: {  	p1 =	slt.u32 s9, $0xF7A;
	s5 =	simm.s32 @!p2 $0x0  }
0x1d: {  	s5 =	simm.s32 @p1 $0x1;
	p0 =	seq.s32 s7, s2  }
0x1e: {  	s7 =	smul.u32 @!p0 $0xF7A, s2;
	p2 =	seq.s32 @!p0 s5, $0x0  }
0x1f: {  	s9 =	smul.u32 $0xF7A, s1;
	s8 =	simm.s32 @!p0 $0x1BF5;
	p2 =	por !p2, p0  }
0x20: {  	[sflag:s8] =	ssyncset.s32 @!p0 $0xFFFFF086;
	s6 =	sadd.s32 @!p0 s3, s7;
	s7 =	simm.s32 @!p0 $0x108  }
0x21: {  	s3 =	sadd.s32 s3, s9;
	s6 =	sadd.s32 @!p0 $0x88, s6;
	s7 =	simm.s32 @p2 $0x1082  }
0x22: {  	[simem:s7], [sflag:s8] =	dma.local @!p0 [hbm:s6], $0xF7A  }
0x23: {  	s9 =	sor.u32 $0xD0000000, s2;
	s6 =	simm.s32 $0x108;
	_ =	swait.ge @!p0 [sflag:s8], $0x0  }
0x24: {  	s3 =	sadd.s32 $0x88, s3;
	s6 =	simm.s32 @!p1 $0x1082;
	[sflag:s4] =	ssyncset.s32 $0xFFFFF086  }
0x25: {  	[simem:s6], [sflag:s4] =	dma.local [hbm:s3], $0xF7A  }
0x26: {  	[smem:$0x3F9B] =	sst s1;
	(tag) =	ssettag s2;
	_ =	strace s9  }
0x27: {  	s1 =	sld [smem:$0x3FAB]  }
0x28: {  	s2 =	sld [smem:$0x3FAC]  }
0x29: {  	s4 =	sld [smem:$0x3FAE]  }
0x2a: {  	p0 =	seq.s32 s5, $0x0;
	s5 =	sld [smem:$0x3FAF]  }
0x2b: {  	s6 =	sld [smem:$0x3FB0]  }
0x2c: {  	s7 =	sld [smem:$0x3FB1]  }
0x2d: {  	s3 =	simm.s32 $0x108;
	s8 =	sld [smem:$0x3FB2]  }
0x2e: {  	s3 =	simm.s32 @!p0 $0x1082;
	s9 =	sld [smem:$0x3FB3]  }
0x2f: {  	lr =	sadd.s32 s0, s3;
	s0 =	sld [smem:$0x3FAA]  }
0x30: {  	s3 =	sld [smem:$0x3FAD]  }
0x31: {  	[smem:$0x3FB6] =	sst s10  }
0x32: {  	s10 =	sld [smem:$0x3FB4];
	_ =	sdelay $0x3  }
0x33: {  	p0 =	seq.s32 s10, $0x1;
	s10 =	sld [smem:$0x3FB6];
	_ =	sdelay $0x3  }
0x34: {  	[smem:$0x3FB6] =	sst s10  }
0x35: {  	s10 =	sld [smem:$0x3FB5];
	_ =	sdelay $0x3  }
0x36: {  	p1 =	seq.s32 s10, $0x1;
	s10 =	sld [smem:$0x3FB6];
	_ =	sdelay $0x3  }
0x37: {  	[smem:$0x3FB6] =	sst s10  }
0x38: {  	s10 =	sld [smem:$0x3FB7]  }
0x39: {  	_ = 	snop;
	(pc) =	sbr.ind lr, $3  }
0x3a: {  	_ = 	snop  }
0x3b: {  	_ = 	snop  }
0x3c: {  	p2 =	seq.s32 s10, $0x1;
	s10 =	sld [smem:$0x3FB6]  }
0x3d: {  	_ =	shalt  }
0x3e: {  	_ =	shalt  }
0x3f: {  	_ =	shalt  }
0x40: {  	_ =	shalt  }
0x41: {  	_ =	shalt  }
0x42: {  	_ =	shalt  }
0x43: {  	_ =	shalt  }
0x44: {  	_ =	shalt  }
0x45: {  	_ =	shalt  }
0x46: {  	_ =	shalt  }
0x47: {  	_ =	shalt  }
0x48: {  	_ =	shalt  }
0x49: {  	_ =	shalt  }
0x4a: {  	_ =	shalt  }
0x4b: {  	_ =	shalt  }
0x4c: {  	_ =	shalt  }
0x4d: {  	_ =	shalt  }
0x4e: {  	_ =	shalt  }
0x4f: {  	_ =	shalt  }
0x50: {  	_ =	shalt  }
0x51: {  	_ =	shalt  }
0x52: {  	_ =	shalt  }
0x53: {  	_ =	shalt  }
0x54: {  	_ =	shalt  }
0x55: {  	_ =	shalt  }
0x56: {  	_ =	shalt  }
0x57: {  	_ =	shalt  }
0x58: {  	_ =	shalt  }
0x59: {  	_ =	shalt  }
0x5a: {  	_ =	shalt  }
0x5b: {  	_ =	shalt  }
0x5c: {  	_ =	shalt  }
0x5d: {  	_ =	shalt  }
0x5e: {  	_ =	shalt  }
0x5f: {  	_ =	shalt  }
0x60: {  	_ =	shalt  }
0x61: {  	_ =	shalt  }
0x62: {  	_ =	shalt  }
0x63: {  	_ =	shalt  }
0x64: {  	_ =	shalt  }
0x65: {  	_ =	shalt  }
0x66: {  	_ =	shalt  }
0x67: {  	_ =	shalt  }
0x68: {  	_ =	shalt  }
0x69: {  	_ =	shalt  }
0x6a: {  	_ =	shalt  }
0x6b: {  	_ =	shalt  }
0x6c: {  	_ =	shalt  }
0x6d: {  	_ =	shalt  }
0x6e: {  	_ =	shalt  }
0x6f: {  	_ =	shalt  }
0x70: {  	_ =	shalt  }
0x71: {  	_ =	shalt  }
0x72: {  	_ =	shalt  }
0x73: {  	_ =	shalt  }
0x74: {  	_ =	shalt  }
0x75: {  	_ =	shalt  }
0x76: {  	_ =	shalt  }
0x77: {  	_ =	shalt  }
0x78: {  	_ =	shalt  }
0x79: {  	_ =	shalt  }
0x7a: {  	_ =	shalt  }
0x7b: {  	_ =	shalt  }
0x7c: {  	_ =	shalt  }
0x7d: {  	_ =	shalt  }
0x7e: {  	_ =	shalt  }
0x7f: {  	_ =	shalt  }
0x80: {  	_ =	shalt  }
0x81: {  	_ =	shalt  }
0x82: {  	_ =	shalt  }
0x83: {  	_ =	shalt  }
0x84: {  	_ =	shalt  }
0x85: {  	_ =	shalt  }
0x86: {  	_ =	shalt  }
0x87: {  	_ =	shalt  }
.Lfunc_end0:
.L_simem_size_0:
called_computation_lowered:
.L_overlay_start_0:
0x88: {  	s2 =	sld [smem:$0x3FD9]  }
0x89: {  	s3 =	sld [smem:$0x3FFE];
	_ =	sdelay $0x1  }
0x8a: {  	s1 =	srdreg.scid  }
0x8b: {  	s0 =	sand.u32 $0x1, s1  }
0x8c: {  	s18 =	sshll.u32 s0, $0xA;
	s2 =	sadd.s32 s3, s2  }
0x8d: {  	s2 =	sadd.s32 s2, s18  }
0x8e: {  	[smem:$0x3FC2] =	sst s2  }
0x8f: {  	_ = 	snop  }
0x90: {  	s2 =	sld [smem:$0x3FC9]  }
0x91: {  	s19 =	sld [smem:$0x3FC8]  }
0x92: {  	s4 =	sld [smem:$0x3FD0];
	(tm) =	ssettm $0x1  }
0x93: {  	s5 =	sld [smem:$0x3FFB];
	_ =	sdelay $0x3  }
0x94: {  	_ =	strace s5  }
0x95: {  	s5 =	sld [smem:$0x3FFC];
	_ =	sdelay $0x3  }
0x96: {  	_ =	strace s5  }
0x97: {  	s5 =	sld [smem:$0x3FFD];
	_ =	sdelay $0x3  }
0x98: {  	_ =	strace s5  }
0x99: {  	_ =	strace $0x8FFFFFFF  }
0x9a: {  	s20 =	sld [smem:$0x3FDB];
	_ =	sdelay $0x1  }
0x9b: {  	s6 =	simm.s32 $_scs_section_size  }
0x9c: {  	s7 =	simm.s32 $_size__tile_overlayer_lowered;
	s8 =	simm.s32 $_tile_overlayer_lowered  }
0x9d: {  	s23 =	simm.s32 $0x1BFF;
	s22 =	sshll.u32 s8, $0x1;
	s5 =	sadd.s32 s6, s20  }
0x9e: {  	s9 =	simm.s32 $0x0;
	s21 =	sshll.u32 s7, $0x1;
	s7 =	sadd.s32 s22, s5  }
0x9f: {  	[timem:s9], [sflag:s23] =	dma.local [hbm:s7], s21  }
0xa0: {  	_ =	swait.ge [sflag:s23], s21  }
0xa1: {  	s6 =	ssub.s32 $0x0, s21;
	[sflag:s23] =	ssyncset.done $0x0  }
0xa2: {  	[sflag:s23] =	ssyncadd.s32 s6;
	_ =	sdelay $0x1  }
0xa3: {  	s24 =	simm.s32 $0x1B8B  }
0xa4: {  	_ =	swait.ge [sflag:s24], $0x1  }
0xa5: {  	[sflag:s24] =	ssyncset.done $0x0  }
0xa6: {  	s25 =	simm.s32 $0x1B8E;
	[sflag:s24] =	ssyncadd.s32 $0xFFFFFFFF  }
0xa7: {  	s26 =	simm.s32 $execute0_lowered;
	[smem:$0x3FD2] =	sst s25  }
0xa8: {  	s6 =	sshll.u32 s26, $0x1;
	_ =	strace $0x80000046;
	[dreg:$0x1] =	wrdreg $0xFFFFFFFF  }
0xa9: {  	s28 =	simm.s32 $_size_execute0_lowered;
	s5 =	sadd.s32 s5, s6;
	[dreg:$0x0] =	wrdreg $0x0  }
0xaa: {  	s6 =	sshll.u32 s28, $0x1;
	[dreg:$0x2] =	wrdreg s5  }
0xab: {  	[dreg:$0x3] =	wrdreg s6  }
0xac: {  	[dreg:$0x4] =	wrdreg $0xC0  }
0xad: {  	_ =	task [dreg:s9], $0x5FFFF  }
0xae: {  	[dreg:$0x1] =	wrdreg $0xFFFFFFFF  }
0xaf: {  	[dreg:$0x0] =	wrdreg $0x60  }
0xb0: {  	[dreg:$0x2] =	wrdreg s2  }
0xb1: {  	[dreg:$0x3] =	wrdreg s19  }
0xb2: {  	[dreg:$0x4] =	wrdreg s4  }
0xb3: {  	[dreg:$0x5] =	wrdreg $0x9  }
0xb4: {  	_ =	task.clear_ibuf [dreg:s9], $0x6FFFF;
	_ =	strace $0x90000046  }
0xb5: {  	s29 =	simm.s32 $0x9;
	_ =	strace $0x80000048  }
0xb6: {  	_ =	swait.ge [sflag:s29], $0x1  }
0xb7: {  	[sflag:s29] =	ssyncadd.s32 $0xFFFFFFFF  }
0xb8: {  	_ =	strace $0x90000048  }
0xb9: {  	_ =	sfence  }
0xba: {  	s30 =	sld [smem:$0x0];
	_ =	sdelay $0x2  }
0xbb: {  	s31 =	sshll.u32 s1, $0xD;
	s1 =	sshrl.u32 s1, $0x2  }
0xbc: {  	s3 =	sand.u32 $0x4000, s31;
	s1 =	sadd.s32 s1, s30  }
0xbd: {  	s0 =	sor.u32 s3, s0;
	s1 =	sshll.u32 s1, $0x11  }
0xbe: {  	s0 =	sor.u32 s1, s0  }
0xbf: {  	s0 =	sadd.s32 $0x8F2B, s0  }
0xc0: {  	[sflag:s0] =	ssyncadd.remote.s32 $0x1  }
0xc1: {  	_ =	sfence.sel $0xFFFF  }
0xc2: {  	[dreg:$0x0] =	wrdreg $0xFFFFFFFF;
	(pc) =	sbr.abs _section_cstart, $3  }
0xc3: {  	[dreg:$0x1] =	wrdreg $0xFFFFFFFF  }
0xc4: {  	_ =	task.clear_ibuf [dreg:s9], $0x2FFFF;
	_ =	strace $0x9FFFFFFF  }
0xc5: {  	(tm) =	ssettm $0x7FFFFFFF  }
tec
execute0_lowered:
.L_overlay_start_1:
0x0: {  	(tag) =	ssettag $0x1  }
0x1: {  	s1 =	srdreg.scid  }
0x2: {  	s1 =	sand.u32 $0x1, s1  }
0x3: {  	p0 =	seq.s32 s1, $0x1  }
.Ltmp0:
0x4: {  	s4 =	rddreg [dreg:$0x0];
	(pc) =	sbr.rel @p0 .LBB2_2-.Ltmp0, $4  }
0x5: {  	s5 =	rddreg [dreg:$0x1]  }
0x6: {  	s2 =	rddreg [dreg:$0x2];
	s3 =	simm.s32 $0x0  }
0x7: {  	[smem:$0x7FF] =	sst s3  }
0x8: {  	s0 =	rddreg [dreg:$0x3];
	_ =	strace $0x80000047;
	s1 =	stileid.u32  }
0x9: {  	v0 =	vmov s1;
	[tilespmem:s3], [sflag:$0x2] =	stream.linear.gather [hbm4b:s4+s3], $0x14, $0x38;
	[tilespmem:$0x4100] =	vst v63  }
0xa: {  	s26 =	simm.s32 $0x2  }
0xb: {  	_ =	swait.ge [sflag:s26], $0x14  }
0xc: {  	[sflag:s26] =	ssyncset.done $0x0  }
0xd: {  	[sflag:s26] =	ssyncadd.s32 $0xFFFFFFEC  }
0xe: {  	v0 =	vld.idx.msk [tilespmem:v0+s3+$0x0], $0xffff;
	_ =	sdelay $0x4  }
0xf: {  	(v2sf) =	vpush v0, $0x0;
	_ =	sdelay $0xd  }
0x10: {  	s6 =	sor.u32 $0x10, s1  }
0x11: {  	v0 =	vmov s6;
	s7 =	spop (v2sf)  }
0x12: {  	p0 =	sgt.u32 s1, $0x3;
	s8 =	simm.s32 $0x400;
	s28 =	sand.u32 $0xFFFFF80, s7  }
0x13: {  	s9 =	simm.s32 $0xC3800;
	s10 =	simm.s32 $0x80;
	s6 =	sadd.s32 s5, s28  }
0x14: {  	[tilespmem:s10], [sflag:$0x1] =	stream.strided.gather [hbm4b:s6+s8], $0x2000, s9, s8, $0x38;
	[tilespmem:$0x4100] =	vst v63  }
0x15: {  	s6 =	simm.s32 @!p0 $0x0  }
0x16: {  	v1 =	vld.idx.msk @!p0 [tilespmem:v0+s6+$0x0], $0xffff;
	_ =	sdelay $0x4  }
0x17: {  	(v2sf) =	vpush @!p0 v1, $0x0;
	_ =	sdelay $0xe  }
0x18: {  	s8 =	spop @!p0 (v2sf)  }
0x19: {  	s11 =	simm.s32 @!p0 $0x2080;
	s8 =	sand.u32 @!p0 $0xFFFFF80, s8  }
0x1a: {  	s9 =	simm.s32 @!p0 $0xC3800;
	s5 =	sadd.s32 @!p0 s5, s8;
	s8 =	simm.s32 @!p0 $0x400  }
0x1b: {  	v63 =	vlaneseq.u32;
	[tilespmem:s11], [sflag:$0x1] =	stream.strided.gather @!p0 [hbm4b:s5+s8], $0x2000, s9, s8, $0x38;
	[tilespmem:$0x4100] =	vst v63  }
0x1c: {  	v1 =	vmul.u32 $0x80, v63;
	s5 =	simm.s32 @!p0 $0x1  }
0x1d: {  	s7 =	sand.u32 $0x7F, s7;
	_ =	swait.ge @!p0 [sflag:s5], $0x2000  }
0x1e: {  	v2 =	vor.u32 s7, v1;
	v3 =	vor.u32 $0x800, v1;
	[sflag:s5] =	ssyncset.done @!p0 $0x0  }
0x1f: {  	s29 =	simm.s32 $0x1;
	v4 =	vor.u32 $0x1000, v1;
	v3 =	vor.u32 s7, v3;
	[sflag:s5] =	ssyncadd.s32 @!p0 $0xFFFFE000  }
0x20: {  	v4 =	vor.u32 s7, v4;
	_ =	swait.ge [sflag:s29], $0x2000  }
0x21: {  	[sflag:s29] =	ssyncset.done $0x0  }
0x22: {  	v1 =	vor.u32 $0x1800, v1;
	[sflag:s29] =	ssyncadd.s32 $0xFFFFE000  }
0x23: {  	v1 =	vor.u32 s7, v1;
	v2 =	vld.idx.msk [tilespmem:v2+s10+$0x0], $0xffff  }
0x24: {  	v3 =	vld.idx.msk [tilespmem:v3+s10+$0x0], $0xffff  }
0x25: {  	v4 =	vld.idx.msk [tilespmem:v4+s10+$0x0], $0xffff;
	_ =	sdelay $0x2  }
0x26: {  	v1 =	vld.idx.msk [tilespmem:v1+s10+$0x0], $0xffff;
	[tilespmem:$0x4080] =	vst @p0 v2  }
0x27: {  	[tilespmem:$0x4090] =	vst @p0 v3  }
0x28: {  	[tilespmem:$0x40A0] =	vst @p0 v4  }
0x29: {  	v0 =	vld.idx.msk @!p0 [tilespmem:v0+s6+$0x0], $0xffff;
	_ =	sdelay $0x4  }
0x2a: {  	(v2sf) =	vpush @!p0 v0, $0x0;
	_ =	sdelay $0xc  }
0x2b: {  	v0 =	vlaneseq.u32 @!p0  }
0x2c: {  	v0 =	vmul.u32 @!p0 $0x80, v0  }
0x2d: {  	s5 =	spop @!p0 (v2sf)  }
0x2e: {  	v5 =	vor.u32 @!p0 $0x2000, v0;
	s5 =	sand.u32 @!p0 $0x7F, s5  }
0x2f: {  	v6 =	vor.u32 @!p0 $0x2800, v0;
	v5 =	vor.u32 @!p0 s5, v5  }
0x30: {  	v7 =	vor.u32 @!p0 $0x3000, v0;
	v0 =	vor.u32 @!p0 $0x3800, v0;
	v6 =	vor.u32 @!p0 s5, v6  }
0x31: {  	v0 =	vor.u32 @!p0 s5, v0;
	_ =	sdelay $0x1  }
0x32: {  	v7 =	vor.u32 @!p0 s5, v7;
	s5 =	simm.s32 @!p0 $0x80  }
0x33: {  	v5 =	vld.idx.msk @!p0 [tilespmem:v5+s5+$0x0], $0xffff  }
0x34: {  	v6 =	vld.idx.msk @!p0 [tilespmem:v6+s5+$0x0], $0xffff  }
0x35: {  	v0 =	vld.idx.msk @!p0 [tilespmem:v0+s5+$0x0], $0xffff;
	_ =	sdelay $0x1  }
0x36: {  	v7 =	vld.idx.msk @!p0 [tilespmem:v7+s5+$0x0], $0xffff;
	_ =	sdelay $0x1  }
0x37: {  	v2 =	vadd.f32 @!p0 v5, v2  }
0x38: {  	v3 =	vadd.f32 @!p0 v6, v3;
	v0 =	vadd.f32 @!p0 v0, v1  }
0x39: {  	[tilespmem:$0x4080] =	vst @!p0 v2  }
0x3a: {  	v2 =	vadd.f32 @!p0 v7, v4;
	[tilespmem:$0x4090] =	vst @!p0 v3;
	v0 =	vpsel p0, v1, v0  }
0x3b: {  	s30 =	sshll.u32 s1, $0x4;
	[tilespmem:$0x40B0] =	vst v0  }
0x3c: {  	s31 =	simm.s32 $0x4080;
	s2 =	sadd.s32 s2, s30;
	[tilespmem:$0x40A0] =	vst @!p0 v2  }
0x3d: {  	[hbm4b:s2+s3] =	stream.linear.scatter [tilespmem:s31], [sflag:$0x2], $0x80, $0x38;
	[tilespmem:$0x4100] =	vst v63  }
0x3e: {  	_ =	swait.ge [sflag:s26], $0x80  }
0x3f: {  	[sflag:s26] =	ssyncset.done $0x0  }
0x40: {  	[sflag:s26] =	ssyncadd.s32 $0xFFFFFF80  }
.LBB2_2:
0x41: {  	_ =	sfence.sel $0x180000  }
0x42: {  	[bflag:$0x0] =	sbarrier.arrive $0xFFFF  }
0x43: {  	p0 =	sne.s32 s1, $0x0;
	_ =	strace $0x90000047  }
0x44: {  	s0 =	sadd.s32 @!p0 $0x100000, s0;
	[bflag:$0x2] =	sbarrier.arrive $0xFFFF  }
0x45: {  	[sflag:s0] =	ssyncadd.tile.s32 @!p0 $0x1;
	_ =	shalt  }
.Lfunc_end2:
_tile_overlayer_lowered:
.L_overlay_start_2:
0x46: {  	(tag) =	ssettag $0x2  }
0x47: {  	s0 =	rddreg [dreg:$0x0];
	s2 =	stileid.u32  }
0x48: {  	s1 =	rddreg [dreg:$0x1];
	p0 =	sne.s32 s2, $0x0  }
0x49: {  	s3 =	rddreg [dreg:$0x2];
	[bflag:$0x3] =	sbarrier.arrive $0xFFFF;
	s2 =	simm.s32 @!p0 $0x1C02  }
0x4a: {  	[timem:s3], [sflag:s2] =	dma.local @!p0 [hbm:s0], s1  }
0x4b: {  	s0 =	simm.s32 @!p0 $0x2  }
0x4c: {  	_ =	swait.ge @!p0 [sflag:s0], s1  }
0x4d: {  	s1 =	ssub.s32 @!p0 $0x0, s1;
	[sflag:s0] =	ssyncset.done @!p0 $0x0  }
0x4e: {  	[sflag:s0] =	ssyncadd.s32 @!p0 s1  }
0x4f: {  	[bflag:$0x3] =	sbarrier.arrive $0xFFFF  }
0x50: {  	_ =	shalt  }

</sc_bundles>
